<compile_context>
chip_gen: v7x
topology: tpu7x:2x2x1
jax: 0.10.2.dev20260603
libtpu: 0.0.44.dev20260713+nightly
codegen_flags: <defaults>
</compile_context>

<pallas_src>
import jax
import jax.numpy as jnp
from jax import lax
from jax.experimental import pallas as pl
from jax.experimental.pallas import tpu as pltpu
from jax.experimental.pallas import tpu_sc as plsc

T_MAX = 1000
COND_DIM = 128
BATCH = 16384

NC = 2
NS = 16
LANES = 16
NW = NC * NS
B_PER_W = BATCH // NW
CHUNK = 128
N_CHUNKS = B_PER_W // CHUNK

STAGE_ROWS = 64


def _emb_lookup_body(
    t_hbm, table_hbm, out_hbm, idx_flat, idx2, rows, tbl_sp, gs0, gs1, gs2, gs3, wsem
):
    gsems = [gs0, gs1, gs2, gs3]
    core = lax.axis_index("c")
    s = lax.axis_index("s")
    wid = s * NC + core
    base = wid * B_PER_W

    row0 = jnp.where(s == NS - 1, T_MAX - STAGE_ROWS, s * STAGE_ROWS)
    stage1 = pltpu.async_copy(
        table_hbm.at[pl.ds(row0, STAGE_ROWS)], rows.at[pl.ds(0, STAGE_ROWS)], wsem
    )

    pltpu.sync_copy(t_hbm.at[pl.ds(base, B_PER_W)], idx_flat)
    stage1.wait()
    stage2 = pltpu.async_copy(
        rows.at[pl.ds(0, STAGE_ROWS)], tbl_sp.at[pl.ds(row0, STAGE_ROWS)], wsem
    )

    def adjust(i, _):
        v = idx_flat[pl.ds(i * LANES, LANES)]
        v = jnp.where(v == 0, T_MAX - 1, v - 1)
        idx2[i // (CHUNK // LANES), pl.ds((i % (CHUNK // LANES)) * LANES, LANES)] = v
        return _

    lax.fori_loop(0, B_PER_W // LANES, adjust, 0, unroll=False)
    stage2.wait()

    plsc.subcore_barrier()

    gathers = [
        pltpu.async_copy(
            tbl_sp.at[idx2.at[j]], rows.at[pl.ds(j * CHUNK, CHUNK)], gsems[j]
        )
        for j in range(N_CHUNKS)
    ]
    for j in range(N_CHUNKS):
        gathers[j].wait()
        pltpu.async_copy(
            rows.at[pl.ds(j * CHUNK, CHUNK)],
            out_hbm.at[pl.ds(base + j * CHUNK, CHUNK)],
            wsem,
        )

    pltpu.make_async_copy(out_hbm.at[pl.ds(0, B_PER_W)], rows, wsem).wait()


@jax.jit
def kernel(t, time_emb):
    mesh = plsc.VectorSubcoreMesh(
        core_axis_name="c", subcore_axis_name="s", num_cores=NC, num_subcores=NS
    )
    run = pl.kernel(
        _emb_lookup_body,
        out_type=jax.ShapeDtypeStruct((BATCH, COND_DIM), jnp.float32),
        mesh=mesh,
        scratch_types=[
            pltpu.VMEM((B_PER_W,), jnp.int32),
            pltpu.VMEM((N_CHUNKS, CHUNK), jnp.int32),
            pltpu.VMEM((B_PER_W, COND_DIM), jnp.float32),
            pltpu.VMEM_SHARED((T_MAX, COND_DIM), jnp.float32),
            pltpu.SemaphoreType.DMA,
            pltpu.SemaphoreType.DMA,
            pltpu.SemaphoreType.DMA,
            pltpu.SemaphoreType.DMA,
            pltpu.SemaphoreType.DMA,
        ],
    )
    return run(t, time_emb)

# --- scband reference (transcript-rebuilt; emitter-appended) ---
"""Pipeline reference for scband-time-embedding-60851096649870 (READ-ONLY COPY).

The authoritative reference and input builder live on the scoring server;
editing this copy changes nothing except your own understanding.
"""

import jax, jax.numpy as jnp
import numpy as np

T_MAX = 1000
COND_DIM = 128
BATCH = 16384


def make_time_emb(t_max, cond_dim):
    timesteps = jnp.arange(1, 1 + t_max).astype(jnp.float32)
    half_dim = cond_dim // 2
    scale = np.log(10000) / (half_dim - 1)
    emb = jnp.exp(jnp.arange(half_dim, dtype=jnp.float32) * -scale)
    emb = timesteps[:, None] * emb[None, :]
    emb = jnp.concatenate([jnp.sin(emb), jnp.cos(emb)], axis=1)
    if cond_dim % 2 == 1:
        emb = jnp.pad(emb, ((0, 0), (0, 1)))
    return emb


def setup_inputs(seed: int = 0) -> dict:
    key = jax.random.key(seed)
    t = jax.random.randint(key, (BATCH,), 0, T_MAX, dtype=jnp.int32)
    time_emb = make_time_emb(T_MAX, COND_DIM)
    return {"t": t, "time_emb": time_emb}


def reference(t, time_emb):
    # Faithful translation of TimeEmbedding.forward: gather rows at (t - 1).
    # Negative indices (when t == 0) wrap, matching torch advanced indexing.
    return time_emb[t - 1]

if __name__ == "__main__":
    import jax
    _d = setup_inputs()
    print(jax.jit(kernel)(*tuple(_d.values())))

</pallas_src>

<mosaic_0001>
#map = affine_map<(d0, d1) -> (0)>
#map1 = affine_map<(d0, d1) -> (0, 0)>
module attributes {stable_mosaic.version = 14 : i64} {
  func.func @_emb_lookup_body(%arg0: i32, %arg1: i32, %arg2: memref<16384xi32, #tpu.memory_space<hbm>>, %arg3: memref<1000x128xf32, #tpu.memory_space<hbm>>, %arg4: memref<16384x128xf32, #tpu.memory_space<hbm>>, %arg5: memref<512xi32, #tpu.memory_space<vmem>>, %arg6: memref<4x128xi32, #tpu.memory_space<vmem>>, %arg7: memref<512x128xf32, #tpu.memory_space<vmem>>, %arg8: memref<1000x128xf32, #tpu.memory_space<vmem_shared>>, %arg9: memref<!tpu.dma_semaphore, #tpu.memory_space<semaphore_mem>>, %arg10: memref<!tpu.dma_semaphore, #tpu.memory_space<semaphore_mem>>, %arg11: memref<!tpu.dma_semaphore, #tpu.memory_space<semaphore_mem>>, %arg12: memref<!tpu.dma_semaphore, #tpu.memory_space<semaphore_mem>>, %arg13: memref<!tpu.dma_semaphore, #tpu.memory_space<semaphore_mem>>) attributes {dimension_semantics = [#tpu.dimension_semantics<core_parallel>, #tpu.dimension_semantics<subcore_parallel>], iteration_bounds = array<i64: 2, 16>, scalar_prefetch = 0 : i64, scratch_operands = 9 : i64, tpu.core_type = #tpu.core_type<sc_vector_subcore>, window_params = [{transform_indices = #map}, {transform_indices = #map1}, {transform_indices = #map1}]} {
    %mul3A = arith.constant 2 : i32
    %mul3A_0 = arith.muli %arg1, %mul3A : i32
    %add3A = arith.addi %mul3A_0, %arg0 : i32
    %mul3A_1 = arith.constant 512 : i32
    %mul3A_2 = arith.muli %add3A, %mul3A_1 : i32
    %eq3A = arith.constant 15 : i32
    %eq3A_3 = arith.cmpi eq, %arg1, %eq3A : i32
    %mul3A_4 = arith.constant 64 : i32
    %mul3A_5 = arith.muli %arg1, %mul3A_4 : i32
    %jit3A = arith.constant 936 : i32
    %select_n3A = arith.select %eq3A_3, %jit3A, %mul3A_5 : i32
    %dma_start3A = arith.constant 0 : i32
    %dma_start3A_6 = arith.constant 0 : i32
    %dma_start3A_7 = tpu.memref_slice %arg7[%dma_start3A, %dma_start3A_6] : memref<512x128xf32, #tpu.memory_space<vmem>> -> memref<64x128xf32, #tpu.memory_space<vmem>>
    %dma_start3A_8 = arith.constant 0 : i32
    %dma_start3A_9 = tpu.memref_slice %arg3[%select_n3A, %dma_start3A_8] : memref<1000x128xf32, #tpu.memory_space<hbm>> -> memref<64x128xf32, #tpu.memory_space<hbm>>
    %dma_start3A_10 = arith.constant 0 : i32
    %dma_start3A_11 = arith.constant 0 : i32
    %dma_start3A_12 = tpu.memref_slice %arg7[%dma_start3A_10, %dma_start3A_11] : memref<512x128xf32, #tpu.memory_space<vmem>> -> memref<64x128xf32, #tpu.memory_space<vmem>>
    %dma_start3A_13 = arith.constant 0 : i32
    %dma_start3A_14 = tpu.memref_slice %arg3[%select_n3A, %dma_start3A_13] : memref<1000x128xf32, #tpu.memory_space<hbm>> -> memref<64x128xf32, #tpu.memory_space<hbm>>
    tpu.enqueue_dma source(%dma_start3A_14 : memref<64x128xf32, #tpu.memory_space<hbm>>) target(%dma_start3A_12 : memref<64x128xf32, #tpu.memory_space<vmem>>) target_semaphore(%arg13 : memref<!tpu.dma_semaphore, #tpu.memory_space<semaphore_mem>>)
    "tpu.region"() ({
      %run_scoped3A = tpu.sem_alloc : memref<!tpu.dma_semaphore, #tpu.memory_space<semaphore_mem>>
      %dma_start3A_183 = tpu.memref_slice %arg2[%mul3A_2] : memref<16384xi32, #tpu.memory_space<hbm>> -> memref<512xi32, #tpu.memory_space<hbm>>
      %dma_start3A_184 = tpu.memref_slice %arg2[%mul3A_2] : memref<16384xi32, #tpu.memory_space<hbm>> -> memref<512xi32, #tpu.memory_space<hbm>>
      tpu.enqueue_dma source(%dma_start3A_184 : memref<512xi32, #tpu.memory_space<hbm>>) target(%arg5 : memref<512xi32, #tpu.memory_space<vmem>>) target_semaphore(%run_scoped3A : memref<!tpu.dma_semaphore, #tpu.memory_space<semaphore_mem>>)
      %dma_wait3A_185 = tpu.memref_slice %arg2[%mul3A_2] : memref<16384xi32, #tpu.memory_space<hbm>> -> memref<512xi32, #tpu.memory_space<hbm>>
      %dma_wait3A_186 = tpu.memref_slice %arg2[%mul3A_2] : memref<16384xi32, #tpu.memory_space<hbm>> -> memref<512xi32, #tpu.memory_space<hbm>>
      tpu.wait_dma2 semaphore(%run_scoped3A : memref<!tpu.dma_semaphore, #tpu.memory_space<semaphore_mem>>) src(%dma_wait3A_186 : memref<512xi32, #tpu.memory_space<hbm>>) dst(%arg5 : memref<512xi32, #tpu.memory_space<vmem>>)
      tpu.yield
    }) : () -> ()
    %dma_wait3A = arith.constant 0 : i32
    %dma_wait3A_15 = arith.constant 0 : i32
    %dma_wait3A_16 = tpu.memref_slice %arg7[%dma_wait3A, %dma_wait3A_15] : memref<512x128xf32, #tpu.memory_space<vmem>> -> memref<64x128xf32, #tpu.memory_space<vmem>>
    %dma_wait3A_17 = arith.constant 0 : i32
    %dma_wait3A_18 = tpu.memref_slice %arg3[%select_n3A, %dma_wait3A_17] : memref<1000x128xf32, #tpu.memory_space<hbm>> -> memref<64x128xf32, #tpu.memory_space<hbm>>
    %dma_wait3A_19 = arith.constant 0 : i32
    %dma_wait3A_20 = arith.constant 0 : i32
    %dma_wait3A_21 = tpu.memref_slice %arg7[%dma_wait3A_19, %dma_wait3A_20] : memref<512x128xf32, #tpu.memory_space<vmem>> -> memref<64x128xf32, #tpu.memory_space<vmem>>
    %dma_wait3A_22 = arith.constant 0 : i32
    %dma_wait3A_23 = tpu.memref_slice %arg3[%select_n3A, %dma_wait3A_22] : memref<1000x128xf32, #tpu.memory_space<hbm>> -> memref<64x128xf32, #tpu.memory_space<hbm>>
    tpu.wait_dma2 semaphore(%arg13 : memref<!tpu.dma_semaphore, #tpu.memory_space<semaphore_mem>>) src(%dma_wait3A_23 : memref<64x128xf32, #tpu.memory_space<hbm>>) dst(%dma_wait3A_21 : memref<64x128xf32, #tpu.memory_space<vmem>>)
    %dma_start3A_24 = arith.constant 0 : i32
    %dma_start3A_25 = arith.constant 0 : i32
    %dma_start3A_26 = tpu.memref_slice %arg7[%dma_start3A_24, %dma_start3A_25] : memref<512x128xf32, #tpu.memory_space<vmem>> -> memref<64x128xf32, #tpu.memory_space<vmem>>
    %dma_start3A_27 = arith.constant 0 : i32
    %dma_start3A_28 = tpu.memref_slice %arg8[%select_n3A, %dma_start3A_27] : memref<1000x128xf32, #tpu.memory_space<vmem_shared>> -> memref<64x128xf32, #tpu.memory_space<vmem_shared>>
    %dma_start3A_29 = arith.constant 0 : i32
    %dma_start3A_30 = tpu.memref_slice %arg8[%select_n3A, %dma_start3A_29] : memref<1000x128xf32, #tpu.memory_space<vmem_shared>> -> memref<64x128xf32, #tpu.memory_space<vmem_shared>>
    %dma_start3A_31 = arith.constant 0 : i32
    %dma_start3A_32 = arith.constant 0 : i32
    %dma_start3A_33 = tpu.memref_slice %arg7[%dma_start3A_31, %dma_start3A_32] : memref<512x128xf32, #tpu.memory_space<vmem>> -> memref<64x128xf32, #tpu.memory_space<vmem>>
    tpu.enqueue_dma source(%dma_start3A_33 : memref<64x128xf32, #tpu.memory_space<vmem>>) target(%dma_start3A_30 : memref<64x128xf32, #tpu.memory_space<vmem_shared>>) target_semaphore(%arg13 : memref<!tpu.dma_semaphore, #tpu.memory_space<semaphore_mem>>)
    %scan3A = arith.constant 0 : i32
    %scan3A_34 = arith.constant 0 : i32
    %scan3A_35 = arith.constant 32 : i32
    %scan3A_36 = arith.addi %scan3A_34, %scan3A_35 : i32
    %scan3A_37 = arith.constant 1 : i32
    scf.for %scan3A_183 = %scan3A_34 to %scan3A_36 step %scan3A_37  : i32 {
      %mul3A_184 = arith.constant 16 : i32
      %mul3A_185 = arith.muli %scan3A_183, %mul3A_184 : i32
      %get3A = arith.index_cast %mul3A_185 : i32 to index
      %get3A_186 = tpu.vector_load %arg5[%get3A] {strides = array<i32>} : memref<512xi32, #tpu.memory_space<vmem>>, vector<16xi32>,
      %get3A_187 = vector.shape_cast %get3A_186 : vector<16xi32> to vector<16xi32>
      %eq3A_188 = arith.constant 0 : i32
      %eq3A_189 = vector.broadcast %eq3A_188 : i32 to vector<16xi32>
      %eq3A_190 = arith.cmpi eq, %get3A_187, %eq3A_189 : vector<16xi32>
      %sub3A = arith.constant 1 : i32
      %sub3A_191 = vector.broadcast %sub3A : i32 to vector<16xi32>
      %sub3A_192 = arith.subi %get3A_187, %sub3A_191 : vector<16xi32>
      %jit3A_193 = arith.constant 999 : i32
      %broadcast_in_dim3A = vector.broadcast %jit3A_193 : i32 to vector<16xi32>
      %select_n3A_194 = arith.select %eq3A_190, %broadcast_in_dim3A, %sub3A_192 : vector<16xi1>, vector<16xi32>
      %jit3A_195 = arith.constant 8 : i32
      %div3A = arith.divsi %scan3A_183, %jit3A_195 : i32
      %sign3A = arith.constant 0 : i32
      %sign3A_196 = arith.cmpi sgt, %scan3A_183, %sign3A : i32
      %sign3A_197 = arith.extui %sign3A_196 : i1 to i32
      %sign3A_198 = arith.constant 0 : i32
      %sign3A_199 = arith.cmpi slt, %scan3A_183, %sign3A_198 : i32
      %sign3A_200 = arith.extui %sign3A_199 : i1 to i32
      %sign3A_201 = arith.subi %sign3A_197, %sign3A_200 : i32
      %sign3A_202 = arith.constant 0 : i32
      %sign3A_203 = arith.cmpi sgt, %jit3A_195, %sign3A_202 : i32
      %sign3A_204 = arith.extui %sign3A_203 : i1 to i32
      %sign3A_205 = arith.constant 0 : i32
      %sign3A_206 = arith.cmpi slt, %jit3A_195, %sign3A_205 : i32
      %sign3A_207 = arith.extui %sign3A_206 : i1 to i32
      %sign3A_208 = arith.subi %sign3A_204, %sign3A_207 : i32
      %ne3A = arith.cmpi ne, %sign3A_201, %sign3A_208 : i32
      %rem3A = arith.remsi %scan3A_183, %jit3A_195 : i32
      %ne3A_209 = arith.constant 0 : i32
      %ne3A_210 = arith.cmpi ne, %rem3A, %ne3A_209 : i32
      %and3A = arith.andi %ne3A, %ne3A_210 : i1
      %sub3A_211 = arith.constant 1 : i32
      %sub3A_212 = arith.subi %div3A, %sub3A_211 : i32
      %select_n3A_213 = arith.select %and3A, %sub3A_212, %div3A : i32
      %jit3A_214 = arith.constant 8 : i32
      %eq3A_215 = arith.constant 0 : i32
      %eq3A_216 = arith.cmpi eq, %jit3A_214, %eq3A_215 : i32
      %jit3A_217 = arith.constant 1 : i32
      %select_n3A_218 = arith.select %eq3A_216, %jit3A_217, %jit3A_214 : i32
      %rem3A_219 = arith.remsi %scan3A_183, %select_n3A_218 : i32
      %ne3A_220 = arith.constant 0 : i32
      %ne3A_221 = arith.cmpi ne, %rem3A_219, %ne3A_220 : i32
      %lt3A = arith.constant 0 : i32
      %lt3A_222 = arith.cmpi slt, %rem3A_219, %lt3A : i32
      %lt3A_223 = arith.constant 0 : i32
      %lt3A_224 = arith.cmpi slt, %select_n3A_218, %lt3A_223 : i32
      %ne3A_225 = arith.xori %lt3A_222, %lt3A_224 : i1
      %and3A_226 = arith.andi %ne3A_225, %ne3A_221 : i1
      %add3A_227 = arith.addi %rem3A_219, %select_n3A_218 : i32
      %select_n3A_228 = arith.select %and3A_226, %add3A_227, %rem3A_219 : i32
      %mul3A_229 = arith.constant 16 : i32
      %mul3A_230 = arith.muli %select_n3A_228, %mul3A_229 : i32
      %swap3A = arith.index_cast %select_n3A_213 : i32 to index
      %swap3A_231 = arith.index_cast %mul3A_230 : i32 to index
      %swap3A_232 = tpu.vector_load %arg6[%swap3A, %swap3A_231] {strides = array<i32>} : memref<4x128xi32, #tpu.memory_space<vmem>>, vector<1x16xi32>,
      %swap3A_233 = vector.shape_cast %swap3A_232 : vector<1x16xi32> to vector<16xi32>
      %swap3A_234 = vector.shape_cast %select_n3A_194 : vector<16xi32> to vector<1x16xi32>
      tpu.vector_store %arg6[%swap3A, %swap3A_231], %swap3A_234 {strides = array<i32>} : memref<4x128xi32, #tpu.memory_space<vmem>>, vector<1x16xi32>,
    }
    %scan3A_38 = arith.constant 32 : i32
    %dma_wait3A_39 = arith.constant 0 : i32
    %dma_wait3A_40 = arith.constant 0 : i32
    %dma_wait3A_41 = tpu.memref_slice %arg7[%dma_wait3A_39, %dma_wait3A_40] : memref<512x128xf32, #tpu.memory_space<vmem>> -> memref<64x128xf32, #tpu.memory_space<vmem>>
    %dma_wait3A_42 = arith.constant 0 : i32
    %dma_wait3A_43 = tpu.memref_slice %arg8[%select_n3A, %dma_wait3A_42] : memref<1000x128xf32, #tpu.memory_space<vmem_shared>> -> memref<64x128xf32, #tpu.memory_space<vmem_shared>>
    %dma_wait3A_44 = arith.constant 0 : i32
    %dma_wait3A_45 = tpu.memref_slice %arg8[%select_n3A, %dma_wait3A_44] : memref<1000x128xf32, #tpu.memory_space<vmem_shared>> -> memref<64x128xf32, #tpu.memory_space<vmem_shared>>
    %dma_wait3A_46 = arith.constant 0 : i32
    %dma_wait3A_47 = arith.constant 0 : i32
    %dma_wait3A_48 = tpu.memref_slice %arg7[%dma_wait3A_46, %dma_wait3A_47] : memref<512x128xf32, #tpu.memory_space<vmem>> -> memref<64x128xf32, #tpu.memory_space<vmem>>
    tpu.wait_dma2 semaphore(%arg13 : memref<!tpu.dma_semaphore, #tpu.memory_space<semaphore_mem>>) src(%dma_wait3A_48 : memref<64x128xf32, #tpu.memory_space<vmem>>) dst(%dma_wait3A_45 : memref<64x128xf32, #tpu.memory_space<vmem_shared>>)
    %barrier3A = arith.constant 0 : index
    tpu.barrier barrier_id(%barrier3A)
    %dma_start3A_49 = arith.constant 0 : i32
    %dma_start3A_50 = arith.constant 0 : i32
    %dma_start3A_51 = arith.constant 0 : i32
    %dma_start3A_52 = tpu.memref_slice %arg7[%dma_start3A_50, %dma_start3A_51] : memref<512x128xf32, #tpu.memory_space<vmem>> -> memref<128x128xf32, #tpu.memory_space<vmem>>
    %dma_start3A_53 = arith.constant 0 : i32
    %dma_start3A_54 = tpu.memref_slice %arg6[%dma_start3A_49, %dma_start3A_53] : memref<4x128xi32, #tpu.memory_space<vmem>> -> memref<1x128xi32, #tpu.memory_space<vmem>>
    %dma_start3A_55 = tpu.memref_squeeze %dma_start3A_54 : memref<1x128xi32, #tpu.memory_space<vmem>> -> memref<128xi32, #tpu.memory_space<vmem>>
    %dma_start3A_56 = arith.constant 0 : i32
    %dma_start3A_57 = arith.constant 0 : i32
    %dma_start3A_58 = tpu.memref_slice %arg8[%dma_start3A_56, %dma_start3A_57] : memref<1000x128xf32, #tpu.memory_space<vmem_shared>> -> memref<1000x128xf32, #tpu.memory_space<vmem_shared>>
    tpu.enqueue_indirect_dma source(%dma_start3A_58 : memref<1000x128xf32, #tpu.memory_space<vmem_shared>>) target(%dma_start3A_52 : memref<128x128xf32, #tpu.memory_space<vmem>>) offsets(%dma_start3A_55 : memref<128xi32, #tpu.memory_space<vmem>>) semaphore(%arg9 : memref<!tpu.dma_semaphore, #tpu.memory_space<semaphore_mem>>)
    %dma_start3A_59 = arith.constant 1 : i32
    %dma_start3A_60 = arith.constant 128 : i32
    %dma_start3A_61 = arith.constant 0 : i32
    %dma_start3A_62 = tpu.memref_slice %arg7[%dma_start3A_60, %dma_start3A_61] : memref<512x128xf32, #tpu.memory_space<vmem>> -> memref<128x128xf32, #tpu.memory_space<vmem>>
    %dma_start3A_63 = arith.constant 0 : i32
    %dma_start3A_64 = tpu.memref_slice %arg6[%dma_start3A_59, %dma_start3A_63] : memref<4x128xi32, #tpu.memory_space<vmem>> -> memref<1x128xi32, #tpu.memory_space<vmem>>
    %dma_start3A_65 = tpu.memref_squeeze %dma_start3A_64 : memref<1x128xi32, #tpu.memory_space<vmem>> -> memref<128xi32, #tpu.memory_space<vmem>>
    %dma_start3A_66 = arith.constant 0 : i32
    %dma_start3A_67 = arith.constant 0 : i32
    %dma_start3A_68 = tpu.memref_slice %arg8[%dma_start3A_66, %dma_start3A_67] : memref<1000x128xf32, #tpu.memory_space<vmem_shared>> -> memref<1000x128xf32, #tpu.memory_space<vmem_shared>>
    tpu.enqueue_indirect_dma source(%dma_start3A_68 : memref<1000x128xf32, #tpu.memory_space<vmem_shared>>) target(%dma_start3A_62 : memref<128x128xf32, #tpu.memory_space<vmem>>) offsets(%dma_start3A_65 : memref<128xi32, #tpu.memory_space<vmem>>) semaphore(%arg10 : memref<!tpu.dma_semaphore, #tpu.memory_space<semaphore_mem>>)
    %dma_start3A_69 = arith.constant 2 : i32
    %dma_start3A_70 = arith.constant 256 : i32
    %dma_start3A_71 = arith.constant 0 : i32
    %dma_start3A_72 = tpu.memref_slice %arg7[%dma_start3A_70, %dma_start3A_71] : memref<512x128xf32, #tpu.memory_space<vmem>> -> memref<128x128xf32, #tpu.memory_space<vmem>>
    %dma_start3A_73 = arith.constant 0 : i32
    %dma_start3A_74 = tpu.memref_slice %arg6[%dma_start3A_69, %dma_start3A_73] : memref<4x128xi32, #tpu.memory_space<vmem>> -> memref<1x128xi32, #tpu.memory_space<vmem>>
    %dma_start3A_75 = tpu.memref_squeeze %dma_start3A_74 : memref<1x128xi32, #tpu.memory_space<vmem>> -> memref<128xi32, #tpu.memory_space<vmem>>
    %dma_start3A_76 = arith.constant 0 : i32
    %dma_start3A_77 = arith.constant 0 : i32
    %dma_start3A_78 = tpu.memref_slice %arg8[%dma_start3A_76, %dma_start3A_77] : memref<1000x128xf32, #tpu.memory_space<vmem_shared>> -> memref<1000x128xf32, #tpu.memory_space<vmem_shared>>
    tpu.enqueue_indirect_dma source(%dma_start3A_78 : memref<1000x128xf32, #tpu.memory_space<vmem_shared>>) target(%dma_start3A_72 : memref<128x128xf32, #tpu.memory_space<vmem>>) offsets(%dma_start3A_75 : memref<128xi32, #tpu.memory_space<vmem>>) semaphore(%arg11 : memref<!tpu.dma_semaphore, #tpu.memory_space<semaphore_mem>>)
    %dma_start3A_79 = arith.constant 3 : i32
    %dma_start3A_80 = arith.constant 384 : i32
    %dma_start3A_81 = arith.constant 0 : i32
    %dma_start3A_82 = tpu.memref_slice %arg7[%dma_start3A_80, %dma_start3A_81] : memref<512x128xf32, #tpu.memory_space<vmem>> -> memref<128x128xf32, #tpu.memory_space<vmem>>
    %dma_start3A_83 = arith.constant 0 : i32
    %dma_start3A_84 = tpu.memref_slice %arg6[%dma_start3A_79, %dma_start3A_83] : memref<4x128xi32, #tpu.memory_space<vmem>> -> memref<1x128xi32, #tpu.memory_space<vmem>>
    %dma_start3A_85 = tpu.memref_squeeze %dma_start3A_84 : memref<1x128xi32, #tpu.memory_space<vmem>> -> memref<128xi32, #tpu.memory_space<vmem>>
    %dma_start3A_86 = arith.constant 0 : i32
    %dma_start3A_87 = arith.constant 0 : i32
    %dma_start3A_88 = tpu.memref_slice %arg8[%dma_start3A_86, %dma_start3A_87] : memref<1000x128xf32, #tpu.memory_space<vmem_shared>> -> memref<1000x128xf32, #tpu.memory_space<vmem_shared>>
    tpu.enqueue_indirect_dma source(%dma_start3A_88 : memref<1000x128xf32, #tpu.memory_space<vmem_shared>>) target(%dma_start3A_82 : memref<128x128xf32, #tpu.memory_space<vmem>>) offsets(%dma_start3A_85 : memref<128xi32, #tpu.memory_space<vmem>>) semaphore(%arg12 : memref<!tpu.dma_semaphore, #tpu.memory_space<semaphore_mem>>)
    %dma_wait3A_89 = arith.constant 0 : i32
    %dma_wait3A_90 = arith.constant 0 : i32
    %dma_wait3A_91 = arith.constant 0 : i32
    %dma_wait3A_92 = tpu.memref_slice %arg7[%dma_wait3A_90, %dma_wait3A_91] : memref<512x128xf32, #tpu.memory_space<vmem>> -> memref<128x128xf32, #tpu.memory_space<vmem>>
    %dma_wait3A_93 = arith.constant 0 : i32
    %dma_wait3A_94 = tpu.memref_slice %arg6[%dma_wait3A_89, %dma_wait3A_93] : memref<4x128xi32, #tpu.memory_space<vmem>> -> memref<1x128xi32, #tpu.memory_space<vmem>>
    %dma_wait3A_95 = tpu.memref_squeeze %dma_wait3A_94 : memref<1x128xi32, #tpu.memory_space<vmem>> -> memref<128xi32, #tpu.memory_space<vmem>>
    %dma_wait3A_96 = arith.constant 0 : i32
    %dma_wait3A_97 = arith.constant 0 : i32
    %dma_wait3A_98 = tpu.memref_slice %arg8[%dma_wait3A_96, %dma_wait3A_97] : memref<1000x128xf32, #tpu.memory_space<vmem_shared>> -> memref<1000x128xf32, #tpu.memory_space<vmem_shared>>
    tpu.wait_indirect_dma semaphore(%arg9 : memref<!tpu.dma_semaphore, #tpu.memory_space<semaphore_mem>>) src(%dma_wait3A_98 : memref<1000x128xf32, #tpu.memory_space<vmem_shared>>) dst(%dma_wait3A_92 : memref<128x128xf32, #tpu.memory_space<vmem>>)
    %add3A_99 = arith.constant 0 : i32
    %add3A_100 = arith.addi %mul3A_2, %add3A_99 : i32
    %dma_start3A_101 = arith.constant 0 : i32
    %dma_start3A_102 = arith.constant 0 : i32
    %dma_start3A_103 = tpu.memref_slice %arg7[%dma_start3A_101, %dma_start3A_102] : memref<512x128xf32, #tpu.memory_space<vmem>> -> memref<128x128xf32, #tpu.memory_space<vmem>>
    %dma_start3A_104 = arith.constant 0 : i32
    %dma_start3A_105 = tpu.memref_slice %arg4[%add3A_100, %dma_start3A_104] : memref<16384x128xf32, #tpu.memory_space<hbm>> -> memref<128x128xf32, #tpu.memory_space<hbm>>
    %dma_start3A_106 = arith.constant 0 : i32
    %dma_start3A_107 = tpu.memref_slice %arg4[%add3A_100, %dma_start3A_106] : memref<16384x128xf32, #tpu.memory_space<hbm>> -> memref<128x128xf32, #tpu.memory_space<hbm>>
    %dma_start3A_108 = arith.constant 0 : i32
    %dma_start3A_109 = arith.constant 0 : i32
    %dma_start3A_110 = tpu.memref_slice %arg7[%dma_start3A_108, %dma_start3A_109] : memref<512x128xf32, #tpu.memory_space<vmem>> -> memref<128x128xf32, #tpu.memory_space<vmem>>
    tpu.enqueue_dma source(%dma_start3A_110 : memref<128x128xf32, #tpu.memory_space<vmem>>) target(%dma_start3A_107 : memref<128x128xf32, #tpu.memory_space<hbm>>) target_semaphore(%arg13 : memref<!tpu.dma_semaphore, #tpu.memory_space<semaphore_mem>>)
    %dma_wait3A_111 = arith.constant 1 : i32
    %dma_wait3A_112 = arith.constant 128 : i32
    %dma_wait3A_113 = arith.constant 0 : i32
    %dma_wait3A_114 = tpu.memref_slice %arg7[%dma_wait3A_112, %dma_wait3A_113] : memref<512x128xf32, #tpu.memory_space<vmem>> -> memref<128x128xf32, #tpu.memory_space<vmem>>
    %dma_wait3A_115 = arith.constant 0 : i32
    %dma_wait3A_116 = tpu.memref_slice %arg6[%dma_wait3A_111, %dma_wait3A_115] : memref<4x128xi32, #tpu.memory_space<vmem>> -> memref<1x128xi32, #tpu.memory_space<vmem>>
    %dma_wait3A_117 = tpu.memref_squeeze %dma_wait3A_116 : memref<1x128xi32, #tpu.memory_space<vmem>> -> memref<128xi32, #tpu.memory_space<vmem>>
    %dma_wait3A_118 = arith.constant 0 : i32
    %dma_wait3A_119 = arith.constant 0 : i32
    %dma_wait3A_120 = tpu.memref_slice %arg8[%dma_wait3A_118, %dma_wait3A_119] : memref<1000x128xf32, #tpu.memory_space<vmem_shared>> -> memref<1000x128xf32, #tpu.memory_space<vmem_shared>>
    tpu.wait_indirect_dma semaphore(%arg10 : memref<!tpu.dma_semaphore, #tpu.memory_space<semaphore_mem>>) src(%dma_wait3A_120 : memref<1000x128xf32, #tpu.memory_space<vmem_shared>>) dst(%dma_wait3A_114 : memref<128x128xf32, #tpu.memory_space<vmem>>)
    %add3A_121 = arith.constant 128 : i32
    %add3A_122 = arith.addi %mul3A_2, %add3A_121 : i32
    %dma_start3A_123 = arith.constant 128 : i32
    %dma_start3A_124 = arith.constant 0 : i32
    %dma_start3A_125 = tpu.memref_slice %arg7[%dma_start3A_123, %dma_start3A_124] : memref<512x128xf32, #tpu.memory_space<vmem>> -> memref<128x128xf32, #tpu.memory_space<vmem>>
    %dma_start3A_126 = arith.constant 0 : i32
    %dma_start3A_127 = tpu.memref_slice %arg4[%add3A_122, %dma_start3A_126] : memref<16384x128xf32, #tpu.memory_space<hbm>> -> memref<128x128xf32, #tpu.memory_space<hbm>>
    %dma_start3A_128 = arith.constant 0 : i32
    %dma_start3A_129 = tpu.memref_slice %arg4[%add3A_122, %dma_start3A_128] : memref<16384x128xf32, #tpu.memory_space<hbm>> -> memref<128x128xf32, #tpu.memory_space<hbm>>
    %dma_start3A_130 = arith.constant 128 : i32
    %dma_start3A_131 = arith.constant 0 : i32
    %dma_start3A_132 = tpu.memref_slice %arg7[%dma_start3A_130, %dma_start3A_131] : memref<512x128xf32, #tpu.memory_space<vmem>> -> memref<128x128xf32, #tpu.memory_space<vmem>>
    tpu.enqueue_dma source(%dma_start3A_132 : memref<128x128xf32, #tpu.memory_space<vmem>>) target(%dma_start3A_129 : memref<128x128xf32, #tpu.memory_space<hbm>>) target_semaphore(%arg13 : memref<!tpu.dma_semaphore, #tpu.memory_space<semaphore_mem>>)
    %dma_wait3A_133 = arith.constant 2 : i32
    %dma_wait3A_134 = arith.constant 256 : i32
    %dma_wait3A_135 = arith.constant 0 : i32
    %dma_wait3A_136 = tpu.memref_slice %arg7[%dma_wait3A_134, %dma_wait3A_135] : memref<512x128xf32, #tpu.memory_space<vmem>> -> memref<128x128xf32, #tpu.memory_space<vmem>>
    %dma_wait3A_137 = arith.constant 0 : i32
    %dma_wait3A_138 = tpu.memref_slice %arg6[%dma_wait3A_133, %dma_wait3A_137] : memref<4x128xi32, #tpu.memory_space<vmem>> -> memref<1x128xi32, #tpu.memory_space<vmem>>
    %dma_wait3A_139 = tpu.memref_squeeze %dma_wait3A_138 : memref<1x128xi32, #tpu.memory_space<vmem>> -> memref<128xi32, #tpu.memory_space<vmem>>
    %dma_wait3A_140 = arith.constant 0 : i32
    %dma_wait3A_141 = arith.constant 0 : i32
    %dma_wait3A_142 = tpu.memref_slice %arg8[%dma_wait3A_140, %dma_wait3A_141] : memref<1000x128xf32, #tpu.memory_space<vmem_shared>> -> memref<1000x128xf32, #tpu.memory_space<vmem_shared>>
    tpu.wait_indirect_dma semaphore(%arg11 : memref<!tpu.dma_semaphore, #tpu.memory_space<semaphore_mem>>) src(%dma_wait3A_142 : memref<1000x128xf32, #tpu.memory_space<vmem_shared>>) dst(%dma_wait3A_136 : memref<128x128xf32, #tpu.memory_space<vmem>>)
    %add3A_143 = arith.constant 256 : i32
    %add3A_144 = arith.addi %mul3A_2, %add3A_143 : i32
    %dma_start3A_145 = arith.constant 256 : i32
    %dma_start3A_146 = arith.constant 0 : i32
    %dma_start3A_147 = tpu.memref_slice %arg7[%dma_start3A_145, %dma_start3A_146] : memref<512x128xf32, #tpu.memory_space<vmem>> -> memref<128x128xf32, #tpu.memory_space<vmem>>
    %dma_start3A_148 = arith.constant 0 : i32
    %dma_start3A_149 = tpu.memref_slice %arg4[%add3A_144, %dma_start3A_148] : memref<16384x128xf32, #tpu.memory_space<hbm>> -> memref<128x128xf32, #tpu.memory_space<hbm>>
    %dma_start3A_150 = arith.constant 0 : i32
    %dma_start3A_151 = tpu.memref_slice %arg4[%add3A_144, %dma_start3A_150] : memref<16384x128xf32, #tpu.memory_space<hbm>> -> memref<128x128xf32, #tpu.memory_space<hbm>>
    %dma_start3A_152 = arith.constant 256 : i32
    %dma_start3A_153 = arith.constant 0 : i32
    %dma_start3A_154 = tpu.memref_slice %arg7[%dma_start3A_152, %dma_start3A_153] : memref<512x128xf32, #tpu.memory_space<vmem>> -> memref<128x128xf32, #tpu.memory_space<vmem>>
    tpu.enqueue_dma source(%dma_start3A_154 : memref<128x128xf32, #tpu.memory_space<vmem>>) target(%dma_start3A_151 : memref<128x128xf32, #tpu.memory_space<hbm>>) target_semaphore(%arg13 : memref<!tpu.dma_semaphore, #tpu.memory_space<semaphore_mem>>)
    %dma_wait3A_155 = arith.constant 3 : i32
    %dma_wait3A_156 = arith.constant 384 : i32
    %dma_wait3A_157 = arith.constant 0 : i32
    %dma_wait3A_158 = tpu.memref_slice %arg7[%dma_wait3A_156, %dma_wait3A_157] : memref<512x128xf32, #tpu.memory_space<vmem>> -> memref<128x128xf32, #tpu.memory_space<vmem>>
    %dma_wait3A_159 = arith.constant 0 : i32
    %dma_wait3A_160 = tpu.memref_slice %arg6[%dma_wait3A_155, %dma_wait3A_159] : memref<4x128xi32, #tpu.memory_space<vmem>> -> memref<1x128xi32, #tpu.memory_space<vmem>>
    %dma_wait3A_161 = tpu.memref_squeeze %dma_wait3A_160 : memref<1x128xi32, #tpu.memory_space<vmem>> -> memref<128xi32, #tpu.memory_space<vmem>>
    %dma_wait3A_162 = arith.constant 0 : i32
    %dma_wait3A_163 = arith.constant 0 : i32
    %dma_wait3A_164 = tpu.memref_slice %arg8[%dma_wait3A_162, %dma_wait3A_163] : memref<1000x128xf32, #tpu.memory_space<vmem_shared>> -> memref<1000x128xf32, #tpu.memory_space<vmem_shared>>
    tpu.wait_indirect_dma semaphore(%arg12 : memref<!tpu.dma_semaphore, #tpu.memory_space<semaphore_mem>>) src(%dma_wait3A_164 : memref<1000x128xf32, #tpu.memory_space<vmem_shared>>) dst(%dma_wait3A_158 : memref<128x128xf32, #tpu.memory_space<vmem>>)
    %add3A_165 = arith.constant 384 : i32
    %add3A_166 = arith.addi %mul3A_2, %add3A_165 : i32
    %dma_start3A_167 = arith.constant 384 : i32
    %dma_start3A_168 = arith.constant 0 : i32
    %dma_start3A_169 = tpu.memref_slice %arg7[%dma_start3A_167, %dma_start3A_168] : memref<512x128xf32, #tpu.memory_space<vmem>> -> memref<128x128xf32, #tpu.memory_space<vmem>>
    %dma_start3A_170 = arith.constant 0 : i32
    %dma_start3A_171 = tpu.memref_slice %arg4[%add3A_166, %dma_start3A_170] : memref<16384x128xf32, #tpu.memory_space<hbm>> -> memref<128x128xf32, #tpu.memory_space<hbm>>
    %dma_start3A_172 = arith.constant 0 : i32
    %dma_start3A_173 = tpu.memref_slice %arg4[%add3A_166, %dma_start3A_172] : memref<16384x128xf32, #tpu.memory_space<hbm>> -> memref<128x128xf32, #tpu.memory_space<hbm>>
    %dma_start3A_174 = arith.constant 384 : i32
    %dma_start3A_175 = arith.constant 0 : i32
    %dma_start3A_176 = tpu.memref_slice %arg7[%dma_start3A_174, %dma_start3A_175] : memref<512x128xf32, #tpu.memory_space<vmem>> -> memref<128x128xf32, #tpu.memory_space<vmem>>
    tpu.enqueue_dma source(%dma_start3A_176 : memref<128x128xf32, #tpu.memory_space<vmem>>) target(%dma_start3A_173 : memref<128x128xf32, #tpu.memory_space<hbm>>) target_semaphore(%arg13 : memref<!tpu.dma_semaphore, #tpu.memory_space<semaphore_mem>>)
    %dma_wait3A_177 = arith.constant 0 : i32
    %dma_wait3A_178 = arith.constant 0 : i32
    %dma_wait3A_179 = tpu.memref_slice %arg4[%dma_wait3A_177, %dma_wait3A_178] : memref<16384x128xf32, #tpu.memory_space<hbm>> -> memref<512x128xf32, #tpu.memory_space<hbm>>
    %dma_wait3A_180 = arith.constant 0 : i32
    %dma_wait3A_181 = arith.constant 0 : i32
    %dma_wait3A_182 = tpu.memref_slice %arg4[%dma_wait3A_180, %dma_wait3A_181] : memref<16384x128xf32, #tpu.memory_space<hbm>> -> memref<512x128xf32, #tpu.memory_space<hbm>>
    tpu.wait_dma2 semaphore(%arg13 : memref<!tpu.dma_semaphore, #tpu.memory_space<semaphore_mem>>) src(%dma_wait3A_182 : memref<512x128xf32, #tpu.memory_space<hbm>>) dst(%arg7 : memref<512x128xf32, #tpu.memory_space<vmem>>)
    return
  }
}

</mosaic_0001>

<sc_bundles>
// kernel: kernel.3.cloned.1.call-start
scs
__scs_entry_jumppad:
0x0: {  	(pc) =	sbr.rel $0x88, $3  }
0x1: {  	(tag) =	ssettag $0x0;
	lr =	simm.s32 $0x1  }
0x2: {  	[smem:$0x3F9F] =	sst lr;
	_ =	strace $0xD0000000  }
0x3: {  	_ = 	snop  }
0x4: {  	_ = 	snop  }
0x5: {  	_ = 	snop  }
0x6: {  	_ = 	snop  }
0x7: {  	_ = 	snop  }
__scs_overlays_trampoline_lowered:
0x8: {  	[smem:$0x3FAE] =	sst s0  }
0x9: {  	[smem:$0x3FAF] =	sst s1  }
0xa: {  	[smem:$0x3FB0] =	sst s2  }
0xb: {  	[smem:$0x3FB1] =	sst s3  }
0xc: {  	[smem:$0x3FB2] =	sst s4  }
0xd: {  	[smem:$0x3FB3] =	sst s5  }
0xe: {  	[smem:$0x3FB4] =	sst s6  }
0xf: {  	[smem:$0x3FB5] =	sst s7  }
0x10: {  	[smem:$0x3FB6] =	sst s8  }
0x11: {  	[smem:$0x3FB7] =	sst s9;
	s0 =	simm.s32 @!p0 $0x0  }
0x12: {  	s1 =	sld [smem:$0x3F9D];
	s0 =	simm.s32 @p0 $0x1  }
0x13: {  	[smem:$0x3FB8] =	sst s0;
	s0 =	simm.s32 @!p1 $0x0  }
0x14: {  	s2 =	sld [smem:$0x3F9C];
	s0 =	simm.s32 @p1 $0x1  }
0x15: {  	[smem:$0x3FB9] =	sst s0;
	s0 =	simm.s32 @!p2 $0x0  }
0x16: {  	s3 =	sld [smem:$0x3FDB];
	s0 =	simm.s32 @p2 $0x1  }
0x17: {  	s4 =	simm.s32 $0x1BF5;
	[smem:$0x3FBB] =	sst s0  }
0x18: {  	s0 =	sld [smem:$0x3F9E];
	_ =	swait.ge [sflag:s4], $0x0  }
0x19: {  	s7 =	sld [smem:$0x3F9F]  }
0x1a: {  	s8 =	sadd.s32 $0xFFFFE003, lr  }
0x1b: {  	s9 =	sadd.s32 $0xFFFFFEF7, lr;
	s5 =	simm.s32 $0xFFFFFFFF;
	p2 =	slt.u32 s8, $0xFFFFF086  }
0x1c: {  	p1 =	slt.u32 s9, $0xF7A;
	s5 =	simm.s32 @!p2 $0x0  }
0x1d: {  	s5 =	simm.s32 @p1 $0x1;
	p0 =	seq.s32 s7, s2  }
0x1e: {  	s7 =	smul.u32 @!p0 $0xF7A, s2;
	p2 =	seq.s32 @!p0 s5, $0x0  }
0x1f: {  	s9 =	smul.u32 $0xF7A, s1;
	s8 =	simm.s32 @!p0 $0x1BF5;
	p2 =	por !p2, p0  }
0x20: {  	[sflag:s8] =	ssyncset.s32 @!p0 $0xFFFFF086;
	s6 =	sadd.s32 @!p0 s3, s7;
	s7 =	simm.s32 @!p0 $0x108  }
0x21: {  	s3 =	sadd.s32 s3, s9;
	s6 =	sadd.s32 @!p0 $0x88, s6;
	s7 =	simm.s32 @p2 $0x1082  }
0x22: {  	[simem:s7], [sflag:s8] =	dma.local @!p0 [hbm:s6], $0xF7A  }
0x23: {  	s9 =	sor.u32 $0xD0000000, s2;
	s6 =	simm.s32 $0x108;
	_ =	swait.ge @!p0 [sflag:s8], $0x0  }
0x24: {  	s3 =	sadd.s32 $0x88, s3;
	s6 =	simm.s32 @!p1 $0x1082;
	[sflag:s4] =	ssyncset.s32 $0xFFFFF086  }
0x25: {  	[simem:s6], [sflag:s4] =	dma.local [hbm:s3], $0xF7A  }
0x26: {  	[smem:$0x3F9F] =	sst s1;
	(tag) =	ssettag s2;
	_ =	strace s9  }
0x27: {  	s1 =	sld [smem:$0x3FAF]  }
0x28: {  	s2 =	sld [smem:$0x3FB0]  }
0x29: {  	s4 =	sld [smem:$0x3FB2]  }
0x2a: {  	p0 =	seq.s32 s5, $0x0;
	s5 =	sld [smem:$0x3FB3]  }
0x2b: {  	s6 =	sld [smem:$0x3FB4]  }
0x2c: {  	s7 =	sld [smem:$0x3FB5]  }
0x2d: {  	s3 =	simm.s32 $0x108;
	s8 =	sld [smem:$0x3FB6]  }
0x2e: {  	s3 =	simm.s32 @!p0 $0x1082;
	s9 =	sld [smem:$0x3FB7]  }
0x2f: {  	lr =	sadd.s32 s0, s3;
	s0 =	sld [smem:$0x3FAE]  }
0x30: {  	s3 =	sld [smem:$0x3FB1]  }
0x31: {  	[smem:$0x3FBA] =	sst s10  }
0x32: {  	s10 =	sld [smem:$0x3FB8];
	_ =	sdelay $0x3  }
0x33: {  	p0 =	seq.s32 s10, $0x1;
	s10 =	sld [smem:$0x3FBA];
	_ =	sdelay $0x3  }
0x34: {  	[smem:$0x3FBA] =	sst s10  }
0x35: {  	s10 =	sld [smem:$0x3FB9];
	_ =	sdelay $0x3  }
0x36: {  	p1 =	seq.s32 s10, $0x1;
	s10 =	sld [smem:$0x3FBA];
	_ =	sdelay $0x3  }
0x37: {  	[smem:$0x3FBA] =	sst s10  }
0x38: {  	s10 =	sld [smem:$0x3FBB]  }
0x39: {  	_ = 	snop;
	(pc) =	sbr.ind lr, $3  }
0x3a: {  	_ = 	snop  }
0x3b: {  	_ = 	snop  }
0x3c: {  	p2 =	seq.s32 s10, $0x1;
	s10 =	sld [smem:$0x3FBA]  }
0x3d: {  	_ =	shalt  }
0x3e: {  	_ =	shalt  }
0x3f: {  	_ =	shalt  }
0x40: {  	_ =	shalt  }
0x41: {  	_ =	shalt  }
0x42: {  	_ =	shalt  }
0x43: {  	_ =	shalt  }
0x44: {  	_ =	shalt  }
0x45: {  	_ =	shalt  }
0x46: {  	_ =	shalt  }
0x47: {  	_ =	shalt  }
0x48: {  	_ =	shalt  }
0x49: {  	_ =	shalt  }
0x4a: {  	_ =	shalt  }
0x4b: {  	_ =	shalt  }
0x4c: {  	_ =	shalt  }
0x4d: {  	_ =	shalt  }
0x4e: {  	_ =	shalt  }
0x4f: {  	_ =	shalt  }
0x50: {  	_ =	shalt  }
0x51: {  	_ =	shalt  }
0x52: {  	_ =	shalt  }
0x53: {  	_ =	shalt  }
0x54: {  	_ =	shalt  }
0x55: {  	_ =	shalt  }
0x56: {  	_ =	shalt  }
0x57: {  	_ =	shalt  }
0x58: {  	_ =	shalt  }
0x59: {  	_ =	shalt  }
0x5a: {  	_ =	shalt  }
0x5b: {  	_ =	shalt  }
0x5c: {  	_ =	shalt  }
0x5d: {  	_ =	shalt  }
0x5e: {  	_ =	shalt  }
0x5f: {  	_ =	shalt  }
0x60: {  	_ =	shalt  }
0x61: {  	_ =	shalt  }
0x62: {  	_ =	shalt  }
0x63: {  	_ =	shalt  }
0x64: {  	_ =	shalt  }
0x65: {  	_ =	shalt  }
0x66: {  	_ =	shalt  }
0x67: {  	_ =	shalt  }
0x68: {  	_ =	shalt  }
0x69: {  	_ =	shalt  }
0x6a: {  	_ =	shalt  }
0x6b: {  	_ =	shalt  }
0x6c: {  	_ =	shalt  }
0x6d: {  	_ =	shalt  }
0x6e: {  	_ =	shalt  }
0x6f: {  	_ =	shalt  }
0x70: {  	_ =	shalt  }
0x71: {  	_ =	shalt  }
0x72: {  	_ =	shalt  }
0x73: {  	_ =	shalt  }
0x74: {  	_ =	shalt  }
0x75: {  	_ =	shalt  }
0x76: {  	_ =	shalt  }
0x77: {  	_ =	shalt  }
0x78: {  	_ =	shalt  }
0x79: {  	_ =	shalt  }
0x7a: {  	_ =	shalt  }
0x7b: {  	_ =	shalt  }
0x7c: {  	_ =	shalt  }
0x7d: {  	_ =	shalt  }
0x7e: {  	_ =	shalt  }
0x7f: {  	_ =	shalt  }
0x80: {  	_ =	shalt  }
0x81: {  	_ =	shalt  }
0x82: {  	_ =	shalt  }
0x83: {  	_ =	shalt  }
0x84: {  	_ =	shalt  }
0x85: {  	_ =	shalt  }
0x86: {  	_ =	shalt  }
0x87: {  	_ =	shalt  }
.Lfunc_end0:
.L_simem_size_0:
called_computation_lowered:
.L_overlay_start_0:
0x88: {  	s2 =	sld [smem:$0x3FD9]  }
0x89: {  	s3 =	sld [smem:$0x3FFE];
	_ =	sdelay $0x1  }
0x8a: {  	s1 =	srdreg.scid  }
0x8b: {  	s0 =	sand.u32 $0x1, s1  }
0x8c: {  	s18 =	sshll.u32 s0, $0xA;
	s2 =	sadd.s32 s3, s2  }
0x8d: {  	s2 =	sadd.s32 s2, s18  }
0x8e: {  	[smem:$0x3FC6] =	sst s2  }
0x8f: {  	_ = 	snop  }
0x90: {  	s2 =	sld [smem:$0x3FC9]  }
0x91: {  	s19 =	sld [smem:$0x3FC8]  }
0x92: {  	s4 =	sld [smem:$0x3FD0];
	(tm) =	ssettm $0x1  }
0x93: {  	s5 =	sld [smem:$0x3FFB];
	_ =	sdelay $0x3  }
0x94: {  	_ =	strace s5  }
0x95: {  	s5 =	sld [smem:$0x3FFC];
	_ =	sdelay $0x3  }
0x96: {  	_ =	strace s5  }
0x97: {  	s5 =	sld [smem:$0x3FFD];
	_ =	sdelay $0x3  }
0x98: {  	_ =	strace s5  }
0x99: {  	_ =	strace $0x8FFFFFFF  }
0x9a: {  	s20 =	sld [smem:$0x3FDB];
	_ =	sdelay $0x1  }
0x9b: {  	s6 =	simm.s32 $_scs_section_size  }
0x9c: {  	s7 =	simm.s32 $_size__tile_overlayer_lowered;
	s8 =	simm.s32 $_tile_overlayer_lowered  }
0x9d: {  	s23 =	simm.s32 $0x1BFF;
	s22 =	sshll.u32 s8, $0x1;
	s5 =	sadd.s32 s6, s20  }
0x9e: {  	s9 =	simm.s32 $0x0;
	s21 =	sshll.u32 s7, $0x1;
	s7 =	sadd.s32 s22, s5  }
0x9f: {  	[timem:s9], [sflag:s23] =	dma.local [hbm:s7], s21  }
0xa0: {  	_ =	swait.ge [sflag:s23], s21  }
0xa1: {  	s6 =	ssub.s32 $0x0, s21;
	[sflag:s23] =	ssyncset.done $0x0  }
0xa2: {  	[sflag:s23] =	ssyncadd.s32 s6;
	_ =	sdelay $0x1  }
0xa3: {  	s24 =	simm.s32 $0x1B8B  }
0xa4: {  	_ =	swait.ge [sflag:s24], $0x1  }
0xa5: {  	[sflag:s24] =	ssyncset.done $0x0  }
0xa6: {  	s25 =	simm.s32 $0x1B8E;
	[sflag:s24] =	ssyncadd.s32 $0xFFFFFFFF  }
0xa7: {  	s26 =	simm.s32 $execute0_lowered;
	[smem:$0x3FD2] =	sst s25  }
0xa8: {  	s6 =	sshll.u32 s26, $0x1;
	_ =	strace $0x80000046;
	[dreg:$0x1] =	wrdreg $0xFFFFFFFF  }
0xa9: {  	s28 =	simm.s32 $_size_execute0_lowered;
	s5 =	sadd.s32 s5, s6;
	[dreg:$0x0] =	wrdreg $0x0  }
0xaa: {  	s6 =	sshll.u32 s28, $0x1;
	[dreg:$0x2] =	wrdreg s5  }
0xab: {  	[dreg:$0x3] =	wrdreg s6  }
0xac: {  	[dreg:$0x4] =	wrdreg $0xC0  }
0xad: {  	_ =	task [dreg:s9], $0x5FFFF  }
0xae: {  	[dreg:$0x1] =	wrdreg $0xFFFFFFFF  }
0xaf: {  	[dreg:$0x0] =	wrdreg $0x60  }
0xb0: {  	[dreg:$0x2] =	wrdreg s2  }
0xb1: {  	[dreg:$0x3] =	wrdreg s19  }
0xb2: {  	[dreg:$0x4] =	wrdreg s4  }
0xb3: {  	[dreg:$0x5] =	wrdreg $0x104000  }
0xb4: {  	[dreg:$0x6] =	wrdreg $0x9  }
0xb5: {  	_ =	task.clear_ibuf [dreg:s9], $0x7FFFF;
	_ =	strace $0x90000046  }
0xb6: {  	s29 =	simm.s32 $0x9;
	_ =	strace $0x80000048  }
0xb7: {  	_ =	swait.ge [sflag:s29], $0x1  }
0xb8: {  	[sflag:s29] =	ssyncadd.s32 $0xFFFFFFFF  }
0xb9: {  	_ =	strace $0x90000048  }
0xba: {  	_ =	sfence  }
0xbb: {  	s30 =	sld [smem:$0x0];
	_ =	sdelay $0x2  }
0xbc: {  	s31 =	sshll.u32 s1, $0xD;
	s1 =	sshrl.u32 s1, $0x2  }
0xbd: {  	s3 =	sand.u32 $0x4000, s31;
	s1 =	sadd.s32 s1, s30  }
0xbe: {  	s0 =	sor.u32 s3, s0;
	s1 =	sshll.u32 s1, $0x11  }
0xbf: {  	s0 =	sor.u32 s1, s0  }
0xc0: {  	s0 =	sadd.s32 $0x8F2B, s0  }
0xc1: {  	[sflag:s0] =	ssyncadd.remote.s32 $0x1  }
0xc2: {  	_ =	sfence.sel $0xFFFF  }
0xc3: {  	[dreg:$0x0] =	wrdreg $0xFFFFFFFF;
	(pc) =	sbr.abs _section_cstart, $3  }
0xc4: {  	[dreg:$0x1] =	wrdreg $0xFFFFFFFF  }
0xc5: {  	_ =	task.clear_ibuf [dreg:s9], $0x2FFFF;
	_ =	strace $0x9FFFFFFF  }
0xc6: {  	(tm) =	ssettm $0x7FFFFFFF  }
0xc7: {  	_ =	shalt  }
tec
execute0_lowered:
.L_overlay_start_1:
0x0: {  	(tag) =	ssettag $0x1  }
0x1: {  	s0 =	rddreg [dreg:$0x0]  }
0x2: {  	s4 =	rddreg [dreg:$0x1]  }
0x3: {  	s6 =	rddreg [dreg:$0x2]  }
0x4: {  	s1 =	rddreg [dreg:$0x3];
	s2 =	simm.s32 $0x0  }
0x5: {  	s3 =	srdreg.scid;
	s25 =	stileid.u32;
	s12 =	simm.s32 $0x400  }
0x6: {  	s13 =	simm.s32 $0x6;
	s14 =	simm.s32 $0x5;
	s15 =	simm.s32 $0x80  }
0x7: {  	s16 =	simm.s32 $0x200;
	s17 =	simm.s32 $0x280;
	s18 =	simm.s32 $0x4400  }
0x8: {  	s19 =	simm.s32 $0x300;
	s20 =	simm.s32 $0x8400;
	s21 =	simm.s32 $0x380  }
0x9: {  	s22 =	simm.s32 $0xC400;
	s23 =	simm.s32 $0x1;
	s24 =	simm.s32 $0x2  }
0xa: {  	s28 =	simm.s32 $0x0;
	[smem:$0x7FF] =	sst s2;
	s5 =	sand.u32 $0x1, s3  }
0xb: {  	p0 =	seq.s32 s25, $0xF;
	s9 =	sshll.u32 s25, $0x6;
	s10 =	sshll.u32 s25, $0xA  }
0xc: {  	s25 =	simm.s32 $0x3;
	_ =	strace $0x80000047;
	s7 =	ssub.s32 $0x2, s5  }
0xd: {  	s5 =	sshll.u32 s5, $0x9;
	s9 =	simm.s32 @p0 $0x3A8;
	s8 =	sshrl.u32 s7, $0x1  }
0xe: {  	s5 =	sor.u32 s5, s10;
	s26 =	sshll.u32 s9, $0x4;
	s31 =	sshll.u32 s9, $0x7  }
0xf: {  	s11 =	ssub.s32 s7, s8;
	s4 =	sadd.s32 s4, s26;
	s29 =	sshrl.u32 s5, $0x3  }
0x10: {  	s30 =	sshll.u32 s5, $0x4;
	s7 =	sadd.s32 s31, s1;
	s26 =	simm.s32 $0x4  }
0x11: {  	s5 =	sadd.s32 s0, s29;
	s6 =	sadd.s32 s6, s30;
	s11 =	smax.u32 s11, $0x1  }
0x12: {  	s8 =	sadd.s32 $0x800, s6;
	s9 =	sadd.s32 $0x1000, s6;
	s10 =	sadd.s32 $0x1800, s6  }
.LBB2_1:
0x13: {  	[tilespmem:s12], [sflag:$0x5] =	stream.linear.gather [hbm4b:s4+s2], $0x2000, $0x38;
	[tilespmem:$0x12340] =	vst v63  }
0x14: {  	_ = 	snop  }
0x15: {  	[tilespmem:s2], [sflag:$0x6] =	stream.linear.gather [hbm4b:s5+s2], $0x200, $0x38;
	[tilespmem:$0x12340] =	vst v63  }
0x16: {  	_ =	swait.ge [sflag:s13], $0x200  }
0x17: {  	[sflag:s13] =	ssyncset.done $0x0  }
0x18: {  	[sflag:s13] =	ssyncadd.s32 $0xFFFFFE00  }
0x19: {  	_ =	swait.ge [sflag:s14], $0x2000  }
0x1a: {  	s0 =	simm.s32 $0x0;
	s31 =	simm.s32 $0x10;
	[sflag:s14] =	ssyncset.done $0x0  }
0x1b: {  	s30 =	simm.s32 $0x0;
	s29 =	simm.s32 $0x0;
	[sflag:s14] =	ssyncadd.s32 $0xFFFFE000  }
0x1c: {  	[spmem:s7] =	stream.linear.scatter [tilespmem:s12], [sflag:$0x5], $0x2000, $0x38;
	[tilespmem:$0x12340] =	vst v63  }
.LBB2_2:
0x1d: {  	p0 =	sne.s32 s31, $0x1F0;
	v0 =	vld [tilespmem:s0+$0x0];
	_ =	sdelay $0x2  }
.Ltmp0:
0x1e: {  	(pc) =	sbr.rel @p0 .LBB2_2-.Ltmp0, $4  }
0x1f: {  	s0 =	sand.u32 $0x600, s30  }
0x20: {  	s3 =	sand.u32 $0x70, s29;
	s29 =	smov.u32 s31;
	s0 =	sshrl.u32 s0, $0x2;
	vm0 =	veq.s32 v0, $0x0;
	v0 =	vadd.s32 $0xFFFFFFFF, v0  }
0x21: {  	s30 =	sadd.s32 $0x40, s30;
	s3 =	sor.u32 s3, s0;
	v0 =	vsel vm0, $0x3E7, v0  }
0x22: {  	s31 =	sadd.s32 $0x10, s31;
	s0 =	sshra.s32 s30, $0x2;
	[tilespmem:s3+$0x200] =	vst v0  }
0x23: {  	v0 =	vld [tilespmem:s0+$0x0];
	_ =	sdelay $0x3  }
0x24: {  	s31 =	sand.u32 $0x600, s30  }
0x25: {  	s3 =	sand.u32 $0x70, s29;
	s0 =	sshrl.u32 s31, $0x2;
	vm0 =	veq.s32 v0, $0x0;
	v0 =	vadd.s32 $0xFFFFFFFF, v0  }
0x26: {  	s0 =	sor.u32 s3, s0;
	v0 =	vsel vm0, $0x3E7, v0  }
0x27: {  	[tilespmem:s0+$0x200] =	vst v0  }
0x28: {  	_ =	swait.ge [sflag:s14], $0x2000  }
0x29: {  	[sflag:s14] =	ssyncset.done $0x0  }
0x2a: {  	[sflag:s14] =	ssyncadd.s32 $0xFFFFE000  }
0x2b: {  	[bflag:$0x0] =	sbarrier.arrive $0xFFFF  }
0x2c: {  	[tilespmem:s12], [sflag:$0x1] =	stream.indirect.gather [spmem:s1], $0x80, s16, s15, $0xb8;
	[tilespmem:$0x12340] =	vst v63  }
0x2d: {  	_ = 	snop  }
0x2e: {  	[tilespmem:s18], [sflag:$0x2] =	stream.indirect.gather [spmem:s1], $0x80, s17, s15, $0xb8;
	[tilespmem:$0x12340] =	vst v63  }
0x2f: {  	_ = 	snop  }
0x30: {  	[tilespmem:s20], [sflag:$0x3] =	stream.indirect.gather [spmem:s1], $0x80, s19, s15, $0xb8;
	[tilespmem:$0x12340] =	vst v63  }
0x31: {  	_ = 	snop  }
0x32: {  	[tilespmem:s22], [sflag:$0x4] =	stream.indirect.gather [spmem:s1], $0x80, s21, s15, $0xb8;
	[tilespmem:$0x12340] =	vst v63  }
0x33: {  	_ =	swait.ge [sflag:s23], $0x4000  }
0x34: {  	[sflag:s23] =	ssyncset.done $0x0  }
0x35: {  	[sflag:s23] =	ssyncadd.s32 $0xFFFFC000  }
0x36: {  	[hbm4b:s6+s2] =	stream.linear.scatter [tilespmem:s12], [sflag:$0x5], $0x4000, $0x38;
	[tilespmem:$0x12340] =	vst v63  }
0x37: {  	_ =	swait.ge [sflag:s24], $0x4000  }
0x38: {  	[sflag:s24] =	ssyncset.done $0x0  }
0x39: {  	[sflag:s24] =	ssyncadd.s32 $0xFFFFC000  }
0x3a: {  	[hbm4b:s8+s2] =	stream.linear.scatter [tilespmem:s18], [sflag:$0x5], $0x4000, $0x38;
	[tilespmem:$0x12340] =	vst v63  }
0x3b: {  	_ =	swait.ge [sflag:s25], $0x4000  }
0x3c: {  	[sflag:s25] =	ssyncset.done $0x0  }
0x3d: {  	[sflag:s25] =	ssyncadd.s32 $0xFFFFC000  }
0x3e: {  	[hbm4b:s9+s2] =	stream.linear.scatter [tilespmem:s20], [sflag:$0x5], $0x4000, $0x38;
	[tilespmem:$0x12340] =	vst v63  }
0x3f: {  	s28 =	sadd.s32 $0x1, s28;
	_ =	swait.ge [sflag:s26], $0x4000  }
0x40: {  	p0 =	sne.s32 s28, s11;
	[sflag:s26] =	ssyncset.done $0x0  }
.Ltmp1:
0x41: {  	[sflag:s26] =	ssyncadd.s32 $0xFFFFC000;
	(pc) =	sbr.rel @p0 .LBB2_1-.Ltmp1, $4  }
0x42: {  	[hbm4b:s10+s2] =	stream.linear.scatter [tilespmem:s22], [sflag:$0x5], $0x4000, $0x38;
	[tilespmem:$0x12340] =	vst v63  }
0x43: {  	_ =	swait.ge [sflag:s14], $0x10000  }
0x44: {  	[sflag:s14] =	ssyncset.done $0x0  }
0x45: {  	[sflag:s14] =	ssyncadd.s32 $0xFFFF0000  }
0x46: {  	_ =	sfence.sel $0x180000  }
0x47: {  	[bflag:$0x0] =	sbarrier.arrive $0xFFFF  }
0x48: {  	_ =	strace $0x90000047  }
0x49: {  	s0 =	stileid.u32;
	[bflag:$0x2] =	sbarrier.arrive $0xFFFF  }
0x4a: {  	p0 =	sne.s32 s0, $0x0;
	s0 =	rddreg [dreg:$0x4]  }
0x4b: {  	s0 =	sadd.s32 @!p0 $0x100000, s0  }
0x4c: {  	[sflag:s0] =	ssyncadd.tile.s32 @!p0 $0x1;
	_ =	shalt  }
.Lfunc_end2:
_tile_overlayer_lowered:
.L_overlay_start_2:
0x4d: {  	(tag) =	ssettag $0x2  }
0x4e: {  	s0 =	rddreg [dreg:$0x0];
	s2 =	stileid.u32  }
0x4f: {  	s1 =	rddreg [dreg:$0x1];
	p0 =	sne.s32 s2, $0x0  }
0x50: {  	s3 =	rddreg [dreg:$0x2];
	[bflag:$0x3] =	sbarrier.arrive $0xFFFF;
	s2 =	simm.s32 @!p0 $0x1C06  }
0x51: {  	[timem:s3], [sflag:s2] =	dma.local @!p0 [hbm:s0], s1  }
0x52: {  	s0 =	simm.s32 @!p0 $0x6  }
0x53: {  	_ =	swait.ge @!p0 [sflag:s0], s1  }
0x54: {  	s1 =	ssub.s32 @!p0 $0x0, s1;
	[sflag:s0] =	ssyncset.done @!p0 $0x0  }
0x55: {  	[sflag:s0] =	ssyncadd.s32 @!p0 s1  }
0x56: {  	[bflag:$0x3] =	sbarrier.arrive $0xFFFF  }
0x57: {  	_ =	shalt  }

</sc_bundles>
